<compile_context>
chip_gen: v7x
topology: tpu7x:2x2x1
jax: 0.10.2.dev20260603
libtpu: 0.0.44.dev20260713+nightly
codegen_flags: <defaults>
</compile_context>

<pallas_src>
import functools

import jax
import jax.numpy as jnp
from jax import lax
from jax.experimental import pallas as pl
from jax.experimental.pallas import tpu as pltpu
from jax.experimental.pallas import tpu_sc as plsc

F32 = jnp.float32


def _sc_gather(table, idx_flat):
    V, D = table.shape
    (B,) = idx_flat.shape
    info = plsc.get_sparse_core_info()
    n_cores, n_sub = info.num_cores, info.num_subcores
    nw = n_cores * n_sub
    assert B % nw == 0 and (B // nw) % 8 == 0
    b_per_w = B // nw

    mesh = plsc.VectorSubcoreMesh(core_axis_name="c", subcore_axis_name="s")

    @functools.partial(
        pl.kernel,
        mesh=mesh,
        out_type=jax.ShapeDtypeStruct((B, D), F32),
        compiler_params=pltpu.CompilerParams(use_tc_tiling_on_sc=False),
        scratch_types=[
            pltpu.VMEM((b_per_w,), jnp.int32),
            pltpu.VMEM((b_per_w, D), F32),
            pltpu.SemaphoreType.DMA,
        ],
    )
    def gather_kernel(table_hbm, idx_hbm, out_hbm, idx_v, rows_v, sem):
        wid = lax.axis_index("s") * n_cores + lax.axis_index("c")
        base = wid * b_per_w
        pltpu.sync_copy(idx_hbm.at[pl.ds(base, b_per_w)], idx_v)
        pltpu.async_copy(table_hbm.at[idx_v], rows_v, sem).wait()
        pltpu.sync_copy(rows_v, out_hbm.at[pl.ds(base, b_per_w)])

    return gather_kernel(table, idx_flat)


def _dtp_block(kk, nc, x0t_ref, xgt_ref, ft_ref,
               wxit_ref, wxjt_ref, w1t_ref, b1_ref, g1_ref, w2t_ref,
               b2_ref, g2_ref, w3t_ref, b3_ref, woutt_ref, wsit_ref,
               p_ref, q_ref, tm_ref, sm_ref, out_ref):
    def dot(a, b):
        return jax.lax.dot_general(a, b, (((1,), (0,)), ((), ())),
                                   preferred_element_type=F32)

    x0t = x0t_ref[...]
    xit = dot(wxit_ref[...], x0t)
    sit = dot(wsit_ref[...], x0t)
    xjt = dot(wxjt_ref[...], xgt_ref[...])
    x_et = xjt + dot(xit, p_ref[...])

    ft = ft_ref[...]
    bst = ft[0:1, :]
    xbt = x_et * bst

    h = dot(w1t_ref[...], ft) + b1_ref[...]
    h = h * jax.nn.sigmoid(h)
    mu = jnp.mean(h, axis=0, keepdims=True)
    var = jnp.mean((h - mu) ** 2, axis=0, keepdims=True)
    h = (h - mu) / jnp.sqrt(var + 1e-5) * g1_ref[...]
    h = dot(w2t_ref[...], h) + b2_ref[...]
    h = h * jax.nn.sigmoid(h)
    mu = jnp.mean(h, axis=0, keepdims=True)
    var = jnp.mean((h - mu) ** 2, axis=0, keepdims=True)
    h = (h - mu) / jnp.sqrt(var + 1e-5) * g2_ref[...]
    h3t = dot(w3t_ref[...], h) + b3_ref[...]

    prod = h3t * dot(tm_ref[...], xbt)
    chunkt = dot(sm_ref[...], prod)
    pooledt = dot(chunkt, q_ref[...]) * (1.0 / kk)
    out_ref[...] = dot(woutt_ref[...], pooledt) + sit


def kernel(x0, neighbor_indices, neighbor_mask, edges, rel_dist, basis_00,
           W_xi, W_xj, rp_w1, rp_b1, rp_g1, rp_w2, rp_b2, rp_g2, rp_w3,
           rp_b3, W_out, W_si):
    b, n, nc, m = x0.shape
    kk = neighbor_indices.shape[-1]
    ed = edges.shape[-1]
    rh = rp_w1.shape[-1]

    nb = 256
    np_ = -(-n // nb) * nb
    e = nb * kk
    etot = np_ * kk
    grid = (np_ // nb,)

    x0_2d = x0.reshape(n, nc)
    idx_flat = neighbor_indices.reshape(n * kk).astype(jnp.int32)
    idx_pad = jnp.pad(idx_flat, (0, etot - n * kk))

    xg = _sc_gather(x0_2d, idx_pad)
    xgt = xg.T

    x0t = jnp.pad(x0_2d.T, ((0, 0), (0, np_ - n)))
    feat = jnp.concatenate(
        [basis_00.reshape(n * kk, 1), rel_dist.reshape(n * kk, 1),
         edges.reshape(n * kk, ed)], axis=1)
    ft = jnp.pad(feat.T, ((0, 8 - (2 + ed)), (0, etot - n * kk)))

    w1x = jnp.pad(rp_w1, ((1, 8 - (2 + ed)), (0, 0)))
    w1t = w1x.T

    er = lax.broadcasted_iota(jnp.int32, (nb, e), 0)
    ec = lax.broadcasted_iota(jnp.int32, (nb, e), 1)
    P = (ec // kk == er).astype(F32)
    Q = P.T
    ti = lax.broadcasted_iota(jnp.int32, (nc * nc, nc), 0)
    tj = lax.broadcasted_iota(jnp.int32, (nc * nc, nc), 1)
    Tm = (ti % nc == tj).astype(F32)
    si_ = lax.broadcasted_iota(jnp.int32, (nc, nc * nc), 0)
    sj = lax.broadcasted_iota(jnp.int32, (nc, nc * nc), 1)
    Sm = (sj // nc == si_).astype(F32)

    def nblk(shape):
        return pl.BlockSpec(shape, lambda g: (0, g))

    def rep(shape):
        return pl.BlockSpec(shape, lambda g: (0, 0))

    outt = pl.pallas_call(
        functools.partial(_dtp_block, kk, nc),
        grid=grid,
        in_specs=[
            nblk((nc, nb)),
            nblk((nc, e)),
            nblk((8, e)),
            rep((nc, nc)),
            rep((nc, nc)),
            rep((rh, 8)),
            rep((rh, 1)),
            rep((rh, 1)),
            rep((rh, rh)),
            rep((rh, 1)),
            rep((rh, 1)),
            rep((nc * nc, rh)),
            rep((nc * nc, 1)),
            rep((nc, nc)),
            rep((nc, nc)),
            rep((nb, e)),
            rep((e, nb)),
            rep((nc * nc, nc)),
            rep((nc, nc * nc)),
        ],
        out_specs=nblk((nc, nb)),
        out_shape=jax.ShapeDtypeStruct((nc, np_), F32),
    )(x0t, xgt, ft,
      W_xi.T, W_xj.T, w1t, rp_b1.reshape(rh, 1), rp_g1.reshape(rh, 1),
      rp_w2.T, rp_b2.reshape(rh, 1), rp_g2.reshape(rh, 1),
      rp_w3.T, rp_b3.reshape(nc * nc, 1), W_out.T, W_si.T, P, Q, Tm, Sm)

    return outt.T[:n].reshape(b, n, nc, m)

# --- scband reference (transcript-rebuilt; emitter-appended) ---
"""Pipeline reference for scband-dtp-5377299055222 (READ-ONLY COPY).

The authoritative reference and input builder live on the scoring server;
editing this copy changes nothing except your own understanding.
"""

import jax, jax.numpy as jnp
import numpy as np

N, K, NC, ED, RH = 10000, 16, 16, 4, 16


def _ln(x, g):
    mu = jnp.mean(x, axis=-1, keepdims=True)
    var = jnp.mean((x - mu) ** 2, axis=-1, keepdims=True)
    return (x - mu) / jnp.sqrt(var + 1e-5) * g


def setup_inputs(seed: int = 0) -> dict:
    key = jax.random.key(seed)
    ks = jax.random.split(key, 20)
    b = 1
    inp = {}
    inp["x0"] = jax.random.normal(ks[0], (b, N, NC, 1), dtype=jnp.float32)
    inp["neighbor_indices"] = jax.random.randint(ks[1], (b, N, K), 0, N)
    inp["neighbor_mask"] = jnp.ones((b, N, K), dtype=bool)
    inp["edges"] = jax.random.normal(ks[2], (b, N, K, ED), dtype=jnp.float32)
    inp["rel_dist"] = jax.random.uniform(ks[3], (b, N, K, 1), dtype=jnp.float32)
    inp["basis_00"] = jax.random.normal(ks[4], (b, N, K, 1, 1, 1, 1, 1), dtype=jnp.float32)
    inp["W_xi"] = jax.random.normal(ks[5], (NC, NC), dtype=jnp.float32) / np.sqrt(NC)
    inp["W_xj"] = jax.random.normal(ks[6], (NC, NC), dtype=jnp.float32) / np.sqrt(NC)
    inp["rp_w1"] = jax.random.normal(ks[7], (ED + 1, RH), dtype=jnp.float32) / np.sqrt(ED + 1)
    inp["rp_b1"] = jnp.zeros((RH,), dtype=jnp.float32)
    inp["rp_g1"] = jnp.ones((RH,), dtype=jnp.float32)
    inp["rp_w2"] = jax.random.normal(ks[8], (RH, RH), dtype=jnp.float32) / np.sqrt(RH)
    inp["rp_b2"] = jnp.zeros((RH,), dtype=jnp.float32)
    inp["rp_g2"] = jnp.ones((RH,), dtype=jnp.float32)
    inp["rp_w3"] = jax.random.normal(ks[9], (RH, NC * NC), dtype=jnp.float32) / np.sqrt(RH)
    inp["rp_b3"] = jnp.zeros((NC * NC,), dtype=jnp.float32)
    inp["W_out"] = jax.random.normal(ks[10], (NC, NC), dtype=jnp.float32) / np.sqrt(NC)
    inp["W_si"] = jax.random.normal(ks[11], (NC, NC), dtype=jnp.float32) / np.sqrt(NC)
    return inp


def reference(x0, neighbor_indices, neighbor_mask, edges, rel_dist, basis_00,
              W_xi, W_xj, rp_w1, rp_b1, rp_g1, rp_w2, rp_b2, rp_g2, rp_w3, rp_b3,
              W_out, W_si):
    # DTP forward, degree-0 only fiber: fiber_in=(16,), fiber_out=(16,), pool=True,
    # project_xi_xj=True, project_out=True, self_interaction=True, edge_dim=4.
    b, n, nc, m = x0.shape  # m = to_order(0) = 1
    kk = neighbor_indices.shape[-1]
    # Linear (equivariant): einsum '... d m, d e -> ... e m'
    xi = jnp.einsum('bndm,de->bnem', x0, W_xi)
    xj = jnp.einsum('bndm,de->bnem', x0, W_xj)
    # batched_index_select along node dim
    xg = jax.vmap(lambda t, idx: t[idx])(xj, neighbor_indices)  # [b,n,k,nc,1]
    x = xg + xi[:, :, None]                                      # project_xi_xj add
    x = x.reshape(b, n, kk, nc * m, 1)
    # radial network on edge features (rel_dist ++ edges)
    feat = jnp.concatenate([rel_dist, edges], axis=-1)           # [b,n,k,5]
    h = jax.nn.silu(feat @ rp_w1 + rp_b1)
    h = _ln(h, rp_g1)
    h = jax.nn.silu(h @ rp_w2 + rp_b2)
    h = _ln(h, rp_g2)
    h = h @ rp_w3 + rp_b3                                        # [b,n,k, nc*nc*num_freq]
    # Rearrange '... (o i f) -> ... o 1 i 1 f' with o=i=nc, f=1
    R = h.reshape(b, n, kk, nc, 1, nc, 1, 1)
    # sum_f R[...,f] * B[...,f]; basis_00 is [b,n,k,1,1,1,1,1]
    kernel = jnp.sum(R * basis_00, axis=-1).reshape(b, n, kk, nc, nc)  # [b,n,k,O,I]
    chunk = jnp.einsum('bnkoi,bnkic->bnkoc', kernel, x)          # [b,n,k,nc,1]
    # masked mean over neighbor dim (dim=2)
    mask = neighbor_mask[..., None, None]
    summed = jnp.sum(jnp.where(mask, chunk, 0.0), axis=2)
    cnt = jnp.sum(mask, axis=2).astype(chunk.dtype)
    pooled = jnp.where(cnt == 0, 0.0, summed / jnp.clip(cnt, 1.0, None))
    output = pooled.reshape(b, n, -1, 1)                         # [b,n,nc,to_order(0)]
    # project_out then residual with self-interaction
    out_proj = jnp.einsum('bndm,de->bnem', output, W_out)
    si = jnp.einsum('bndm,de->bnem', x0, W_si)
    return out_proj + si

if __name__ == "__main__":
    import jax
    _d = setup_inputs()
    print(jax.jit(kernel)(*tuple(_d.values())))

</pallas_src>

<mosaic_0001>
#map = affine_map<(d0, d1) -> (0, 0)>
#map1 = affine_map<(d0, d1) -> (0)>
module attributes {stable_mosaic.version = 14 : i64} {
  func.func @gather_kernel(%arg0: i32, %arg1: i32, %arg2: memref<10000x16xf32, #tpu.memory_space<hbm>>, %arg3: memref<163840xi32, #tpu.memory_space<hbm>>, %arg4: memref<163840x16xf32, #tpu.memory_space<hbm>>, %arg5: memref<5120xi32, #tpu.memory_space<vmem>>, %arg6: memref<5120x16xf32, #tpu.memory_space<vmem>>, %arg7: memref<!tpu.dma_semaphore, #tpu.memory_space<semaphore_mem>>) attributes {dimension_semantics = [#tpu.dimension_semantics<core_parallel>, #tpu.dimension_semantics<subcore_parallel>], iteration_bounds = array<i64: 2, 16>, scalar_prefetch = 0 : i64, scratch_operands = 3 : i64, tpu.core_type = #tpu.core_type<sc_vector_subcore>, window_params = [{transform_indices = #map}, {transform_indices = #map1}, {transform_indices = #map}]} {
    %mul3A = arith.constant 2 : i32
    %mul3A_0 = arith.muli %arg1, %mul3A : i32
    %add3A = arith.addi %mul3A_0, %arg0 : i32
    %mul3A_1 = arith.constant 5120 : i32
    %mul3A_2 = arith.muli %add3A, %mul3A_1 : i32
    "tpu.region"() ({
      %run_scoped3A = tpu.sem_alloc : memref<!tpu.dma_semaphore, #tpu.memory_space<semaphore_mem>>
      %dma_start3A_7 = tpu.memref_slice %arg3[%mul3A_2] : memref<163840xi32, #tpu.memory_space<hbm>> -> memref<5120xi32, #tpu.memory_space<hbm>>
      %dma_start3A_8 = tpu.memref_slice %arg3[%mul3A_2] : memref<163840xi32, #tpu.memory_space<hbm>> -> memref<5120xi32, #tpu.memory_space<hbm>>
      tpu.enqueue_dma source(%dma_start3A_8 : memref<5120xi32, #tpu.memory_space<hbm>>) target(%arg5 : memref<5120xi32, #tpu.memory_space<vmem>>) target_semaphore(%run_scoped3A : memref<!tpu.dma_semaphore, #tpu.memory_space<semaphore_mem>>)
      %dma_wait3A_9 = tpu.memref_slice %arg3[%mul3A_2] : memref<163840xi32, #tpu.memory_space<hbm>> -> memref<5120xi32, #tpu.memory_space<hbm>>
      %dma_wait3A_10 = tpu.memref_slice %arg3[%mul3A_2] : memref<163840xi32, #tpu.memory_space<hbm>> -> memref<5120xi32, #tpu.memory_space<hbm>>
      tpu.wait_dma2 semaphore(%run_scoped3A : memref<!tpu.dma_semaphore, #tpu.memory_space<semaphore_mem>>) src(%dma_wait3A_10 : memref<5120xi32, #tpu.memory_space<hbm>>) dst(%arg5 : memref<5120xi32, #tpu.memory_space<vmem>>)
      tpu.yield
    }) : () -> ()
    %dma_start3A = arith.constant 0 : i32
    %dma_start3A_3 = arith.constant 0 : i32
    %dma_start3A_4 = tpu.memref_slice %arg2[%dma_start3A, %dma_start3A_3] : memref<10000x16xf32, #tpu.memory_space<hbm>> -> memref<10000x16xf32, #tpu.memory_space<hbm>>
    tpu.enqueue_indirect_dma source(%dma_start3A_4 : memref<10000x16xf32, #tpu.memory_space<hbm>>) target(%arg6 : memref<5120x16xf32, #tpu.memory_space<vmem>>) offsets(%arg5 : memref<5120xi32, #tpu.memory_space<vmem>>) semaphore(%arg7 : memref<!tpu.dma_semaphore, #tpu.memory_space<semaphore_mem>>)
    %dma_wait3A = arith.constant 0 : i32
    %dma_wait3A_5 = arith.constant 0 : i32
    %dma_wait3A_6 = tpu.memref_slice %arg2[%dma_wait3A, %dma_wait3A_5] : memref<10000x16xf32, #tpu.memory_space<hbm>> -> memref<10000x16xf32, #tpu.memory_space<hbm>>
    tpu.wait_indirect_dma semaphore(%arg7 : memref<!tpu.dma_semaphore, #tpu.memory_space<semaphore_mem>>) src(%dma_wait3A_6 : memref<10000x16xf32, #tpu.memory_space<hbm>>) dst(%arg6 : memref<5120x16xf32, #tpu.memory_space<vmem>>)
    "tpu.region"() ({
      %run_scoped3A = tpu.sem_alloc : memref<!tpu.dma_semaphore, #tpu.memory_space<semaphore_mem>>
      %dma_start3A_7 = arith.constant 0 : i32
      %dma_start3A_8 = tpu.memref_slice %arg4[%mul3A_2, %dma_start3A_7] : memref<163840x16xf32, #tpu.memory_space<hbm>> -> memref<5120x16xf32, #tpu.memory_space<hbm>>
      %dma_start3A_9 = arith.constant 0 : i32
      %dma_start3A_10 = tpu.memref_slice %arg4[%mul3A_2, %dma_start3A_9] : memref<163840x16xf32, #tpu.memory_space<hbm>> -> memref<5120x16xf32, #tpu.memory_space<hbm>>
      tpu.enqueue_dma source(%arg6 : memref<5120x16xf32, #tpu.memory_space<vmem>>) target(%dma_start3A_10 : memref<5120x16xf32, #tpu.memory_space<hbm>>) target_semaphore(%run_scoped3A : memref<!tpu.dma_semaphore, #tpu.memory_space<semaphore_mem>>)
      %dma_wait3A_11 = arith.constant 0 : i32
      %dma_wait3A_12 = tpu.memref_slice %arg4[%mul3A_2, %dma_wait3A_11] : memref<163840x16xf32, #tpu.memory_space<hbm>> -> memref<5120x16xf32, #tpu.memory_space<hbm>>
      %dma_wait3A_13 = arith.constant 0 : i32
      %dma_wait3A_14 = tpu.memref_slice %arg4[%mul3A_2, %dma_wait3A_13] : memref<163840x16xf32, #tpu.memory_space<hbm>> -> memref<5120x16xf32, #tpu.memory_space<hbm>>
      tpu.wait_dma2 semaphore(%run_scoped3A : memref<!tpu.dma_semaphore, #tpu.memory_space<semaphore_mem>>) src(%arg6 : memref<5120x16xf32, #tpu.memory_space<vmem>>) dst(%dma_wait3A_14 : memref<5120x16xf32, #tpu.memory_space<hbm>>)
      tpu.yield
    }) : () -> ()
    return
  }
}

module attributes {stable_mosaic.version = 14 : i64} {
  func.func @_dtp_block(%arg0: i32, %arg1: memref<16x256xf32, #tpu.memory_space<vmem>>, %arg2: memref<16x4096xf32, #tpu.memory_space<vmem>>, %arg3: memref<8x4096xf32, #tpu.memory_space<vmem>>, %arg4: memref<16x16xf32, #tpu.memory_space<vmem>>, %arg5: memref<16x16xf32, #tpu.memory_space<vmem>>, %arg6: memref<16x8xf32, #tpu.memory_space<vmem>>, %arg7: memref<16x1xf32, #tpu.memory_space<vmem>>, %arg8: memref<16x1xf32, #tpu.memory_space<vmem>>, %arg9: memref<16x16xf32, #tpu.memory_space<vmem>>, %arg10: memref<16x1xf32, #tpu.memory_space<vmem>>, %arg11: memref<16x1xf32, #tpu.memory_space<vmem>>, %arg12: memref<256x16xf32, #tpu.memory_space<vmem>>, %arg13: memref<256x1xf32, #tpu.memory_space<vmem>>, %arg14: memref<16x16xf32, #tpu.memory_space<vmem>>, %arg15: memref<16x16xf32, #tpu.memory_space<vmem>>, %arg16: memref<256x4096xf32, #tpu.memory_space<vmem>>, %arg17: memref<4096x256xf32, #tpu.memory_space<vmem>>, %arg18: memref<256x16xf32, #tpu.memory_space<vmem>>, %arg19: memref<16x256xf32, #tpu.memory_space<vmem>>, %arg20: memref<16x256xf32, #tpu.memory_space<vmem>>) attributes {dimension_semantics = [#tpu.dimension_semantics<arbitrary>], iteration_bounds = array<i64: 40>, scalar_prefetch = 0 : i64, scratch_operands = 0 : i64, tpu.core_type = #tpu.core_type<tc>, window_params = [{transform_indices = @transform_0, window_bounds = array<i64: 16, 256>}, {transform_indices = @transform_1, window_bounds = array<i64: 16, 4096>}, {transform_indices = @transform_2, window_bounds = array<i64: 8, 4096>}, {pipeline_mode = #tpu.pipeline_mode<synchronous>, transform_indices = @transform_3, window_bounds = array<i64: 16, 16>}, {pipeline_mode = #tpu.pipeline_mode<synchronous>, transform_indices = @transform_4, window_bounds = array<i64: 16, 16>}, {pipeline_mode = #tpu.pipeline_mode<synchronous>, transform_indices = @transform_5, window_bounds = array<i64: 16, 8>}, {pipeline_mode = #tpu.pipeline_mode<synchronous>, transform_indices = @transform_6, window_bounds = array<i64: 16, 1>}, {pipeline_mode = #tpu.pipeline_mode<synchronous>, transform_indices = @transform_7, window_bounds = array<i64: 16, 1>}, {pipeline_mode = #tpu.pipeline_mode<synchronous>, transform_indices = @transform_8, window_bounds = array<i64: 16, 16>}, {pipeline_mode = #tpu.pipeline_mode<synchronous>, transform_indices = @transform_9, window_bounds = array<i64: 16, 1>}, {pipeline_mode = #tpu.pipeline_mode<synchronous>, transform_indices = @transform_10, window_bounds = array<i64: 16, 1>}, {pipeline_mode = #tpu.pipeline_mode<synchronous>, transform_indices = @transform_11, window_bounds = array<i64: 256, 16>}, {pipeline_mode = #tpu.pipeline_mode<synchronous>, transform_indices = @transform_12, window_bounds = array<i64: 256, 1>}, {pipeline_mode = #tpu.pipeline_mode<synchronous>, transform_indices = @transform_13, window_bounds = array<i64: 16, 16>}, {pipeline_mode = #tpu.pipeline_mode<synchronous>, transform_indices = @transform_14, window_bounds = array<i64: 16, 16>}, {pipeline_mode = #tpu.pipeline_mode<synchronous>, transform_indices = @transform_15, window_bounds = array<i64: 256, 4096>}, {pipeline_mode = #tpu.pipeline_mode<synchronous>, transform_indices = @transform_16, window_bounds = array<i64: 4096, 256>}, {pipeline_mode = #tpu.pipeline_mode<synchronous>, transform_indices = @transform_17, window_bounds = array<i64: 256, 16>}, {pipeline_mode = #tpu.pipeline_mode<synchronous>, transform_indices = @transform_18, window_bounds = array<i64: 16, 256>}, {transform_indices = @transform_19, window_bounds = array<i64: 16, 256>}]} {
    %get3A = arith.constant 0 : index
    %get3A_0 = arith.constant 0 : index
    %get3A_1 = vector.load %arg1[%get3A, %get3A_0] : memref<16x256xf32, #tpu.memory_space<vmem>>, vector<16x256xf32>
    %get3A_2 = arith.constant 0 : index
    %get3A_3 = arith.constant 0 : index
    %get3A_4 = vector.load %arg4[%get3A_2, %get3A_3] : memref<16x16xf32, #tpu.memory_space<vmem>>, vector<16x16xf32>
    %dot_general3A = arith.constant dense<0.000000e+00> : vector<16x256xf32>
    %dot_general3A_5 = tpu.matmul %get3A_4, %get3A_1, %dot_general3A {dimension_numbers = #tpu.dot_dimension_numbers<[1], [0], [0], [1], [0, 0, 1, 1], [], []>, transpose_lhs_hint = false} : vector<16x16xf32>, vector<16x256xf32>, vector<16x256xf32> -> vector<16x256xf32>
    %get3A_6 = arith.constant 0 : index
    %get3A_7 = arith.constant 0 : index
    %get3A_8 = vector.load %arg15[%get3A_6, %get3A_7] : memref<16x16xf32, #tpu.memory_space<vmem>>, vector<16x16xf32>
    %dot_general3A_9 = arith.constant dense<0.000000e+00> : vector<16x256xf32>
    %dot_general3A_10 = tpu.matmul %get3A_8, %get3A_1, %dot_general3A_9 {dimension_numbers = #tpu.dot_dimension_numbers<[1], [0], [0], [1], [0, 0, 1, 1], [], []>, transpose_lhs_hint = false} : vector<16x16xf32>, vector<16x256xf32>, vector<16x256xf32> -> vector<16x256xf32>
    %get3A_11 = arith.constant 0 : index
    %get3A_12 = arith.constant 0 : index
    %get3A_13 = vector.load %arg5[%get3A_11, %get3A_12] : memref<16x16xf32, #tpu.memory_space<vmem>>, vector<16x16xf32>
    %get3A_14 = arith.constant 0 : index
    %get3A_15 = arith.constant 0 : index
    %get3A_16 = vector.load %arg2[%get3A_14, %get3A_15] : memref<16x4096xf32, #tpu.memory_space<vmem>>, vector<16x4096xf32>
    %dot_general3A_17 = arith.constant dense<0.000000e+00> : vector<16x4096xf32>
    %dot_general3A_18 = tpu.matmul %get3A_13, %get3A_16, %dot_general3A_17 {dimension_numbers = #tpu.dot_dimension_numbers<[1], [0], [0], [1], [0, 0, 1, 1], [], []>, transpose_lhs_hint = false} : vector<16x16xf32>, vector<16x4096xf32>, vector<16x4096xf32> -> vector<16x4096xf32>
    %get3A_19 = arith.constant 0 : index
    %get3A_20 = arith.constant 0 : index
    %get3A_21 = vector.load %arg16[%get3A_19, %get3A_20] : memref<256x4096xf32, #tpu.memory_space<vmem>>, vector<256x4096xf32>
    %dot_general3A_22 = arith.constant dense<0.000000e+00> : vector<16x4096xf32>
    %dot_general3A_23 = tpu.matmul %dot_general3A_5, %get3A_21, %dot_general3A_22 {dimension_numbers = #tpu.dot_dimension_numbers<[1], [0], [0], [1], [0, 0, 1, 1], [], []>, transpose_lhs_hint = false} : vector<16x256xf32>, vector<256x4096xf32>, vector<16x4096xf32> -> vector<16x4096xf32>
    %add3A = arith.addf %dot_general3A_18, %dot_general3A_23 : vector<16x4096xf32>
    %get3A_24 = arith.constant 0 : index
    %get3A_25 = arith.constant 0 : index
    %get3A_26 = vector.load %arg3[%get3A_24, %get3A_25] : memref<8x4096xf32, #tpu.memory_space<vmem>>, vector<8x4096xf32>
    %slice3A = vector.extract_strided_slice %get3A_26 {offsets = [0, 0], sizes = [1, 4096], strides = [1, 1]} : vector<8x4096xf32> to vector<1x4096xf32>
    %mul3A = vector.broadcast %slice3A : vector<1x4096xf32> to vector<16x4096xf32>
    %mul3A_27 = arith.mulf %add3A, %mul3A : vector<16x4096xf32>
    %get3A_28 = arith.constant 0 : index
    %get3A_29 = arith.constant 0 : index
    %get3A_30 = vector.load %arg6[%get3A_28, %get3A_29] : memref<16x8xf32, #tpu.memory_space<vmem>>, vector<16x8xf32>
    %dot_general3A_31 = arith.constant dense<0.000000e+00> : vector<16x4096xf32>
    %dot_general3A_32 = tpu.matmul %get3A_30, %get3A_26, %dot_general3A_31 {dimension_numbers = #tpu.dot_dimension_numbers<[1], [0], [0], [1], [0, 0, 1, 1], [], []>, transpose_lhs_hint = false} : vector<16x8xf32>, vector<8x4096xf32>, vector<16x4096xf32> -> vector<16x4096xf32>
    %get3A_33 = arith.constant 0 : index
    %get3A_34 = arith.constant 0 : index
    %get3A_35 = vector.load %arg7[%get3A_33, %get3A_34] : memref<16x1xf32, #tpu.memory_space<vmem>>, vector<16x1xf32>
    %add3A_36 = vector.broadcast %get3A_35 : vector<16x1xf32> to vector<16x4096xf32>
    %add3A_37 = arith.addf %dot_general3A_32, %add3A_36 : vector<16x4096xf32>
    %logistic3A = arith.negf %add3A_37 : vector<16x4096xf32>
    %logistic3A_38 = math.exp %logistic3A : vector<16x4096xf32>
    %logistic3A_39 = arith.constant 1.000000e+00 : f32
    %logistic3A_40 = vector.broadcast %logistic3A_39 : f32 to vector<16x4096xf32>
    %logistic3A_41 = arith.addf %logistic3A_40, %logistic3A_38 : vector<16x4096xf32>
    %logistic3A_42 = arith.divf %logistic3A_40, %logistic3A_41 : vector<16x4096xf32>
    %mul3A_43 = arith.mulf %add3A_37, %logistic3A_42 : vector<16x4096xf32>
    %reduce_sum3A = arith.constant dense<0.000000e+00> : vector<4096xf32>
    %reduce_sum3A_44 = vector.multi_reduction <add>, %mul3A_43, %reduce_sum3A [0] : vector<16x4096xf32> to vector<4096xf32>
    %broadcast_in_dim3A = vector.shape_cast %reduce_sum3A_44 : vector<4096xf32> to vector<1x4096xf32>
    %div3A = arith.constant 1.600000e+01 : f32
    %div3A_45 = vector.broadcast %div3A : f32 to vector<1x4096xf32>
    %div3A_46 = arith.divf %broadcast_in_dim3A, %div3A_45 : vector<1x4096xf32>
    %sub3A = vector.broadcast %div3A_46 : vector<1x4096xf32> to vector<16x4096xf32>
    %sub3A_47 = arith.subf %mul3A_43, %sub3A : vector<16x4096xf32>
    %integer_pow3A = arith.mulf %sub3A_47, %sub3A_47 : vector<16x4096xf32>
    %reduce_sum3A_48 = arith.constant dense<0.000000e+00> : vector<4096xf32>
    %reduce_sum3A_49 = vector.multi_reduction <add>, %integer_pow3A, %reduce_sum3A_48 [0] : vector<16x4096xf32> to vector<4096xf32>
    %broadcast_in_dim3A_50 = vector.shape_cast %reduce_sum3A_49 : vector<4096xf32> to vector<1x4096xf32>
    %div3A_51 = arith.constant 1.600000e+01 : f32
    %div3A_52 = vector.broadcast %div3A_51 : f32 to vector<1x4096xf32>
    %div3A_53 = arith.divf %broadcast_in_dim3A_50, %div3A_52 : vector<1x4096xf32>
    %sub3A_54 = vector.broadcast %div3A_46 : vector<1x4096xf32> to vector<16x4096xf32>
    %sub3A_55 = arith.subf %mul3A_43, %sub3A_54 : vector<16x4096xf32>
    %add3A_56 = arith.constant 9.99999974E-6 : f32
    %add3A_57 = vector.broadcast %add3A_56 : f32 to vector<1x4096xf32>
    %add3A_58 = arith.addf %div3A_53, %add3A_57 : vector<1x4096xf32>
    %sqrt3A = math.sqrt %add3A_58 : vector<1x4096xf32>
    %div3A_59 = vector.broadcast %sqrt3A : vector<1x4096xf32> to vector<16x4096xf32>
    %div3A_60 = arith.divf %sub3A_55, %div3A_59 : vector<16x4096xf32>
    %get3A_61 = arith.constant 0 : index
    %get3A_62 = arith.constant 0 : index
    %get3A_63 = vector.load %arg8[%get3A_61, %get3A_62] : memref<16x1xf32, #tpu.memory_space<vmem>>, vector<16x1xf32>
    %mul3A_64 = vector.broadcast %get3A_63 : vector<16x1xf32> to vector<16x4096xf32>
    %mul3A_65 = arith.mulf %div3A_60, %mul3A_64 : vector<16x4096xf32>
    %get3A_66 = arith.constant 0 : index
    %get3A_67 = arith.constant 0 : index
    %get3A_68 = vector.load %arg9[%get3A_66, %get3A_67] : memref<16x16xf32, #tpu.memory_space<vmem>>, vector<16x16xf32>
    %dot_general3A_69 = arith.constant dense<0.000000e+00> : vector<16x4096xf32>
    %dot_general3A_70 = tpu.matmul %get3A_68, %mul3A_65, %dot_general3A_69 {dimension_numbers = #tpu.dot_dimension_numbers<[1], [0], [0], [1], [0, 0, 1, 1], [], []>, transpose_lhs_hint = false} : vector<16x16xf32>, vector<16x4096xf32>, vector<16x4096xf32> -> vector<16x4096xf32>
    %get3A_71 = arith.constant 0 : index
    %get3A_72 = arith.constant 0 : index
    %get3A_73 = vector.load %arg10[%get3A_71, %get3A_72] : memref<16x1xf32, #tpu.memory_space<vmem>>, vector<16x1xf32>
    %add3A_74 = vector.broadcast %get3A_73 : vector<16x1xf32> to vector<16x4096xf32>
    %add3A_75 = arith.addf %dot_general3A_70, %add3A_74 : vector<16x4096xf32>
    %logistic3A_76 = arith.negf %add3A_75 : vector<16x4096xf32>
    %logistic3A_77 = math.exp %logistic3A_76 : vector<16x4096xf32>
    %logistic3A_78 = arith.constant 1.000000e+00 : f32
    %logistic3A_79 = vector.broadcast %logistic3A_78 : f32 to vector<16x4096xf32>
    %logistic3A_80 = arith.addf %logistic3A_79, %logistic3A_77 : vector<16x4096xf32>
    %logistic3A_81 = arith.divf %logistic3A_79, %logistic3A_80 : vector<16x4096xf32>
    %mul3A_82 = arith.mulf %add3A_75, %logistic3A_81 : vector<16x4096xf32>
    %reduce_sum3A_83 = arith.constant dense<0.000000e+00> : vector<4096xf32>
    %reduce_sum3A_84 = vector.multi_reduction <add>, %mul3A_82, %reduce_sum3A_83 [0] : vector<16x4096xf32> to vector<4096xf32>
    %broadcast_in_dim3A_85 = vector.shape_cast %reduce_sum3A_84 : vector<4096xf32> to vector<1x4096xf32>
    %div3A_86 = arith.constant 1.600000e+01 : f32
    %div3A_87 = vector.broadcast %div3A_86 : f32 to vector<1x4096xf32>
    %div3A_88 = arith.divf %broadcast_in_dim3A_85, %div3A_87 : vector<1x4096xf32>
    %sub3A_89 = vector.broadcast %div3A_88 : vector<1x4096xf32> to vector<16x4096xf32>
    %sub3A_90 = arith.subf %mul3A_82, %sub3A_89 : vector<16x4096xf32>
    %integer_pow3A_91 = arith.mulf %sub3A_90, %sub3A_90 : vector<16x4096xf32>
    %reduce_sum3A_92 = arith.constant dense<0.000000e+00> : vector<4096xf32>
    %reduce_sum3A_93 = vector.multi_reduction <add>, %integer_pow3A_91, %reduce_sum3A_92 [0] : vector<16x4096xf32> to vector<4096xf32>
    %broadcast_in_dim3A_94 = vector.shape_cast %reduce_sum3A_93 : vector<4096xf32> to vector<1x4096xf32>
    %div3A_95 = arith.constant 1.600000e+01 : f32
    %div3A_96 = vector.broadcast %div3A_95 : f32 to vector<1x4096xf32>
    %div3A_97 = arith.divf %broadcast_in_dim3A_94, %div3A_96 : vector<1x4096xf32>
    %sub3A_98 = vector.broadcast %div3A_88 : vector<1x4096xf32> to vector<16x4096xf32>
    %sub3A_99 = arith.subf %mul3A_82, %sub3A_98 : vector<16x4096xf32>
    %add3A_100 = arith.constant 9.99999974E-6 : f32
    %add3A_101 = vector.broadcast %add3A_100 : f32 to vector<1x4096xf32>
    %add3A_102 = arith.addf %div3A_97, %add3A_101 : vector<1x4096xf32>
    %sqrt3A_103 = math.sqrt %add3A_102 : vector<1x4096xf32>
    %div3A_104 = vector.broadcast %sqrt3A_103 : vector<1x4096xf32> to vector<16x4096xf32>
    %div3A_105 = arith.divf %sub3A_99, %div3A_104 : vector<16x4096xf32>
    %get3A_106 = arith.constant 0 : index
    %get3A_107 = arith.constant 0 : index
    %get3A_108 = vector.load %arg11[%get3A_106, %get3A_107] : memref<16x1xf32, #tpu.memory_space<vmem>>, vector<16x1xf32>
    %mul3A_109 = vector.broadcast %get3A_108 : vector<16x1xf32> to vector<16x4096xf32>
    %mul3A_110 = arith.mulf %div3A_105, %mul3A_109 : vector<16x4096xf32>
    %get3A_111 = arith.constant 0 : index
    %get3A_112 = arith.constant 0 : index
    %get3A_113 = vector.load %arg12[%get3A_111, %get3A_112] : memref<256x16xf32, #tpu.memory_space<vmem>>, vector<256x16xf32>
    %dot_general3A_114 = arith.constant dense<0.000000e+00> : vector<256x4096xf32>
    %dot_general3A_115 = tpu.matmul %get3A_113, %mul3A_110, %dot_general3A_114 {dimension_numbers = #tpu.dot_dimension_numbers<[1], [0], [0], [1], [0, 0, 1, 1], [], []>, transpose_lhs_hint = false} : vector<256x16xf32>, vector<16x4096xf32>, vector<256x4096xf32> -> vector<256x4096xf32>
    %get3A_116 = arith.constant 0 : index
    %get3A_117 = arith.constant 0 : index
    %get3A_118 = vector.load %arg13[%get3A_116, %get3A_117] : memref<256x1xf32, #tpu.memory_space<vmem>>, vector<256x1xf32>
    %add3A_119 = vector.broadcast %get3A_118 : vector<256x1xf32> to vector<256x4096xf32>
    %add3A_120 = arith.addf %dot_general3A_115, %add3A_119 : vector<256x4096xf32>
    %get3A_121 = arith.constant 0 : index
    %get3A_122 = arith.constant 0 : index
    %get3A_123 = vector.load %arg18[%get3A_121, %get3A_122] : memref<256x16xf32, #tpu.memory_space<vmem>>, vector<256x16xf32>
    %dot_general3A_124 = arith.constant dense<0.000000e+00> : vector<256x4096xf32>
    %dot_general3A_125 = tpu.matmul %get3A_123, %mul3A_27, %dot_general3A_124 {dimension_numbers = #tpu.dot_dimension_numbers<[1], [0], [0], [1], [0, 0, 1, 1], [], []>, transpose_lhs_hint = false} : vector<256x16xf32>, vector<16x4096xf32>, vector<256x4096xf32> -> vector<256x4096xf32>
    %mul3A_126 = arith.mulf %add3A_120, %dot_general3A_125 : vector<256x4096xf32>
    %get3A_127 = arith.constant 0 : index
    %get3A_128 = arith.constant 0 : index
    %get3A_129 = vector.load %arg19[%get3A_127, %get3A_128] : memref<16x256xf32, #tpu.memory_space<vmem>>, vector<16x256xf32>
    %dot_general3A_130 = arith.constant dense<0.000000e+00> : vector<16x4096xf32>
    %dot_general3A_131 = tpu.matmul %get3A_129, %mul3A_126, %dot_general3A_130 {dimension_numbers = #tpu.dot_dimension_numbers<[1], [0], [0], [1], [0, 0, 1, 1], [], []>, transpose_lhs_hint = false} : vector<16x256xf32>, vector<256x4096xf32>, vector<16x4096xf32> -> vector<16x4096xf32>
    %get3A_132 = arith.constant 0 : index
    %get3A_133 = arith.constant 0 : index
    %get3A_134 = vector.load %arg17[%get3A_132, %get3A_133] : memref<4096x256xf32, #tpu.memory_space<vmem>>, vector<4096x256xf32>
    %dot_general3A_135 = arith.constant dense<0.000000e+00> : vector<16x256xf32>
    %dot_general3A_136 = tpu.matmul %dot_general3A_131, %get3A_134, %dot_general3A_135 {dimension_numbers = #tpu.dot_dimension_numbers<[1], [0], [0], [1], [0, 0, 1, 1], [], []>, transpose_lhs_hint = false} : vector<16x4096xf32>, vector<4096x256xf32>, vector<16x256xf32> -> vector<16x256xf32>
    %mul3A_137 = arith.constant 6.250000e-02 : f32
    %mul3A_138 = vector.broadcast %mul3A_137 : f32 to vector<16x256xf32>
    %mul3A_139 = arith.mulf %dot_general3A_136, %mul3A_138 : vector<16x256xf32>
    %get3A_140 = arith.constant 0 : index
    %get3A_141 = arith.constant 0 : index
    %get3A_142 = vector.load %arg14[%get3A_140, %get3A_141] : memref<16x16xf32, #tpu.memory_space<vmem>>, vector<16x16xf32>
    %dot_general3A_143 = arith.constant dense<0.000000e+00> : vector<16x256xf32>
    %dot_general3A_144 = tpu.matmul %get3A_142, %mul3A_139, %dot_general3A_143 {dimension_numbers = #tpu.dot_dimension_numbers<[1], [0], [0], [1], [0, 0, 1, 1], [], []>, transpose_lhs_hint = false} : vector<16x16xf32>, vector<16x256xf32>, vector<16x256xf32> -> vector<16x256xf32>
    %add3A_145 = arith.addf %dot_general3A_144, %dot_general3A_10 : vector<16x256xf32>
    %swap3A = arith.constant 0 : index
    %swap3A_146 = arith.constant 0 : index
    %swap3A_147 = vector.load %arg20[%swap3A, %swap3A_146] : memref<16x256xf32, #tpu.memory_space<vmem>>, vector<16x256xf32>
    tpu.vector_store %arg20[%swap3A, %swap3A_146], %add3A_145 {strides = array<i32>} : memref<16x256xf32, #tpu.memory_space<vmem>>, vector<16x256xf32>,
    return
  }
  func.func @transform_0(%arg0: i32) -> (i32, i32) {
    %c0_i32 = arith.constant 0 : i32
    %c0_i32_0 = arith.constant 0 : i32
    return %c0_i32, %arg0 : i32, i32
  }
  func.func @transform_1(%arg0: i32) -> (i32, i32) {
    %c0_i32 = arith.constant 0 : i32
    %c0_i32_0 = arith.constant 0 : i32
    return %c0_i32, %arg0 : i32, i32
  }
  func.func @transform_2(%arg0: i32) -> (i32, i32) {
    %c0_i32 = arith.constant 0 : i32
    %c0_i32_0 = arith.constant 0 : i32
    return %c0_i32, %arg0 : i32, i32
  }
  func.func @transform_3(%arg0: i32) -> (i32, i32) {
    %c0_i32 = arith.constant 0 : i32
    %c0_i32_0 = arith.constant 0 : i32
    %c0_i32_1 = arith.constant 0 : i32
    return %c0_i32, %c0_i32_0 : i32, i32
  }
  func.func @transform_4(%arg0: i32) -> (i32, i32) {
    %c0_i32 = arith.constant 0 : i32
    %c0_i32_0 = arith.constant 0 : i32
    %c0_i32_1 = arith.constant 0 : i32
    return %c0_i32, %c0_i32_0 : i32, i32
  }
  func.func @transform_5(%arg0: i32) -> (i32, i32) {
    %c0_i32 = arith.constant 0 : i32
    %c0_i32_0 = arith.constant 0 : i32
    %c0_i32_1 = arith.constant 0 : i32
    return %c0_i32, %c0_i32_0 : i32, i32
  }
  func.func @transform_6(%arg0: i32) -> (i32, i32) {
    %c0_i32 = arith.constant 0 : i32
    %c0_i32_0 = arith.constant 0 : i32
    %c0_i32_1 = arith.constant 0 : i32
    return %c0_i32, %c0_i32_0 : i32, i32
  }
  func.func @transform_7(%arg0: i32) -> (i32, i32) {
    %c0_i32 = arith.constant 0 : i32
    %c0_i32_0 = arith.constant 0 : i32
    %c0_i32_1 = arith.constant 0 : i32
    return %c0_i32, %c0_i32_0 : i32, i32
  }
  func.func @transform_8(%arg0: i32) -> (i32, i32) {
    %c0_i32 = arith.constant 0 : i32
    %c0_i32_0 = arith.constant 0 : i32
    %c0_i32_1 = arith.constant 0 : i32
    return %c0_i32, %c0_i32_0 : i32, i32
  }
  func.func @transform_9(%arg0: i32) -> (i32, i32) {
    %c0_i32 = arith.constant 0 : i32
    %c0_i32_0 = arith.constant 0 : i32
    %c0_i32_1 = arith.constant 0 : i32
    return %c0_i32, %c0_i32_0 : i32, i32
  }
  func.func @transform_10(%arg0: i32) -> (i32, i32) {
    %c0_i32 = arith.constant 0 : i32
    %c0_i32_0 = arith.constant 0 : i32
    %c0_i32_1 = arith.constant 0 : i32
    return %c0_i32, %c0_i32_0 : i32, i32
  }
  func.func @transform_11(%arg0: i32) -> (i32, i32) {
    %c0_i32 = arith.constant 0 : i32
    %c0_i32_0 = arith.constant 0 : i32
    %c0_i32_1 = arith.constant 0 : i32
    return %c0_i32, %c0_i32_0 : i32, i32
  }
  func.func @transform_12(%arg0: i32) -> (i32, i32) {
    %c0_i32 = arith.constant 0 : i32
    %c0_i32_0 = arith.constant 0 : i32
    %c0_i32_1 = arith.constant 0 : i32
    return %c0_i32, %c0_i32_0 : i32, i32
  }
  func.func @transform_13(%arg0: i32) -> (i32, i32) {
    %c0_i32 = arith.constant 0 : i32
    %c0_i32_0 = arith.constant 0 : i32
    %c0_i32_1 = arith.constant 0 : i32
    return %c0_i32, %c0_i32_0 : i32, i32
  }
  func.func @transform_14(%arg0: i32) -> (i32, i32) {
    %c0_i32 = arith.constant 0 : i32
    %c0_i32_0 = arith.constant 0 : i32
    %c0_i32_1 = arith.constant 0 : i32
    return %c0_i32, %c0_i32_0 : i32, i32
  }
  func.func @transform_15(%arg0: i32) -> (i32, i32) {
    %c0_i32 = arith.constant 0 : i32
    %c0_i32_0 = arith.constant 0 : i32
    %c0_i32_1 = arith.constant 0 : i32
    return %c0_i32, %c0_i32_0 : i32, i32
  }
  func.func @transform_16(%arg0: i32) -> (i32, i32) {
    %c0_i32 = arith.constant 0 : i32
    %c0_i32_0 = arith.constant 0 : i32
    %c0_i32_1 = arith.constant 0 : i32
    return %c0_i32, %c0_i32_0 : i32, i32
  }
  func.func @transform_17(%arg0: i32) -> (i32, i32) {
    %c0_i32 = arith.constant 0 : i32
    %c0_i32_0 = arith.constant 0 : i32
    %c0_i32_1 = arith.constant 0 : i32
    return %c0_i32, %c0_i32_0 : i32, i32
  }
  func.func @transform_18(%arg0: i32) -> (i32, i32) {
    %c0_i32 = arith.constant 0 : i32
    %c0_i32_0 = arith.constant 0 : i32
    %c0_i32_1 = arith.constant 0 : i32
    return %c0_i32, %c0_i32_0 : i32, i32
  }
  func.func @transform_19(%arg0: i32) -> (i32, i32) {
    %c0_i32 = arith.constant 0 : i32
    %c0_i32_0 = arith.constant 0 : i32
    return %c0_i32, %arg0 : i32, i32
  }
}

</mosaic_0001>

<sc_bundles>
// kernel: kernel.4.cloned.1.call-start
scs
__scs_entry_jumppad:
0x0: {  	(pc) =	sbr.rel $0x88, $3  }
0x1: {  	(tag) =	ssettag $0x0;
	lr =	simm.s32 $0x1  }
0x2: {  	[smem:$0x3F90] =	sst lr;
	_ =	strace $0xD0000000  }
0x3: {  	_ = 	snop  }
0x4: {  	_ = 	snop  }
0x5: {  	_ = 	snop  }
0x6: {  	_ = 	snop  }
0x7: {  	_ = 	snop  }
__scs_overlays_trampoline_lowered:
0x8: {  	[smem:$0x3F9F] =	sst s0  }
0x9: {  	[smem:$0x3FA0] =	sst s1  }
0xa: {  	[smem:$0x3FA1] =	sst s2  }
0xb: {  	[smem:$0x3FA2] =	sst s3  }
0xc: {  	[smem:$0x3FA3] =	sst s4  }
0xd: {  	[smem:$0x3FA4] =	sst s5  }
0xe: {  	[smem:$0x3FA5] =	sst s6  }
0xf: {  	[smem:$0x3FA6] =	sst s7  }
0x10: {  	[smem:$0x3FA7] =	sst s8  }
0x11: {  	[smem:$0x3FA8] =	sst s9;
	s0 =	simm.s32 @!p0 $0x0  }
0x12: {  	s1 =	sld [smem:$0x3F8E];
	s0 =	simm.s32 @p0 $0x1  }
0x13: {  	[smem:$0x3FA9] =	sst s0;
	s0 =	simm.s32 @!p1 $0x0  }
0x14: {  	s2 =	sld [smem:$0x3F8D];
	s0 =	simm.s32 @p1 $0x1  }
0x15: {  	[smem:$0x3FAA] =	sst s0;
	s0 =	simm.s32 @!p2 $0x0  }
0x16: {  	s3 =	sld [smem:$0x3FDB];
	s0 =	simm.s32 @p2 $0x1  }
0x17: {  	s4 =	simm.s32 $0x1BF5;
	[smem:$0x3FAC] =	sst s0  }
0x18: {  	s0 =	sld [smem:$0x3F8F];
	_ =	swait.ge [sflag:s4], $0x0  }
0x19: {  	s7 =	sld [smem:$0x3F90]  }
0x1a: {  	s8 =	sadd.s32 $0xFFFFE003, lr  }
0x1b: {  	s9 =	sadd.s32 $0xFFFFFEF7, lr;
	s5 =	simm.s32 $0xFFFFFFFF;
	p2 =	slt.u32 s8, $0xFFFFF086  }
0x1c: {  	p1 =	slt.u32 s9, $0xF7A;
	s5 =	simm.s32 @!p2 $0x0  }
0x1d: {  	s5 =	simm.s32 @p1 $0x1;
	p0 =	seq.s32 s7, s2  }
0x1e: {  	s7 =	smul.u32 @!p0 $0xF7A, s2;
	p2 =	seq.s32 @!p0 s5, $0x0  }
0x1f: {  	s9 =	smul.u32 $0xF7A, s1;
	s8 =	simm.s32 @!p0 $0x1BF5;
	p2 =	por !p2, p0  }
0x20: {  	[sflag:s8] =	ssyncset.s32 @!p0 $0xFFFFF086;
	s6 =	sadd.s32 @!p0 s3, s7;
	s7 =	simm.s32 @!p0 $0x108  }
0x21: {  	s3 =	sadd.s32 s3, s9;
	s6 =	sadd.s32 @!p0 $0x88, s6;
	s7 =	simm.s32 @p2 $0x1082  }
0x22: {  	[simem:s7], [sflag:s8] =	dma.local @!p0 [hbm:s6], $0xF7A  }
0x23: {  	s9 =	sor.u32 $0xD0000000, s2;
	s6 =	simm.s32 $0x108;
	_ =	swait.ge @!p0 [sflag:s8], $0x0  }
0x24: {  	s3 =	sadd.s32 $0x88, s3;
	s6 =	simm.s32 @!p1 $0x1082;
	[sflag:s4] =	ssyncset.s32 $0xFFFFF086  }
0x25: {  	[simem:s6], [sflag:s4] =	dma.local [hbm:s3], $0xF7A  }
0x26: {  	[smem:$0x3F90] =	sst s1;
	(tag) =	ssettag s2;
	_ =	strace s9  }
0x27: {  	s1 =	sld [smem:$0x3FA0]  }
0x28: {  	s2 =	sld [smem:$0x3FA1]  }
0x29: {  	s4 =	sld [smem:$0x3FA3]  }
0x2a: {  	p0 =	seq.s32 s5, $0x0;
	s5 =	sld [smem:$0x3FA4]  }
0x2b: {  	s6 =	sld [smem:$0x3FA5]  }
0x2c: {  	s7 =	sld [smem:$0x3FA6]  }
0x2d: {  	s3 =	simm.s32 $0x108;
	s8 =	sld [smem:$0x3FA7]  }
0x2e: {  	s3 =	simm.s32 @!p0 $0x1082;
	s9 =	sld [smem:$0x3FA8]  }
0x2f: {  	lr =	sadd.s32 s0, s3;
	s0 =	sld [smem:$0x3F9F]  }
0x30: {  	s3 =	sld [smem:$0x3FA2]  }
0x31: {  	[smem:$0x3FAB] =	sst s10  }
0x32: {  	s10 =	sld [smem:$0x3FA9];
	_ =	sdelay $0x3  }
0x33: {  	p0 =	seq.s32 s10, $0x1;
	s10 =	sld [smem:$0x3FAB];
	_ =	sdelay $0x3  }
0x34: {  	[smem:$0x3FAB] =	sst s10  }
0x35: {  	s10 =	sld [smem:$0x3FAA];
	_ =	sdelay $0x3  }
0x36: {  	p1 =	seq.s32 s10, $0x1;
	s10 =	sld [smem:$0x3FAB];
	_ =	sdelay $0x3  }
0x37: {  	[smem:$0x3FAB] =	sst s10  }
0x38: {  	s10 =	sld [smem:$0x3FAC]  }
0x39: {  	_ = 	snop;
	(pc) =	sbr.ind lr, $3  }
0x3a: {  	_ = 	snop  }
0x3b: {  	_ = 	snop  }
0x3c: {  	p2 =	seq.s32 s10, $0x1;
	s10 =	sld [smem:$0x3FAB]  }
0x3d: {  	_ =	shalt  }
0x3e: {  	_ =	shalt  }
0x3f: {  	_ =	shalt  }
0x40: {  	_ =	shalt  }
0x41: {  	_ =	shalt  }
0x42: {  	_ =	shalt  }
0x43: {  	_ =	shalt  }
0x44: {  	_ =	shalt  }
0x45: {  	_ =	shalt  }
0x46: {  	_ =	shalt  }
0x47: {  	_ =	shalt  }
0x48: {  	_ =	shalt  }
0x49: {  	_ =	shalt  }
0x4a: {  	_ =	shalt  }
0x4b: {  	_ =	shalt  }
0x4c: {  	_ =	shalt  }
0x4d: {  	_ =	shalt  }
0x4e: {  	_ =	shalt  }
0x4f: {  	_ =	shalt  }
0x50: {  	_ =	shalt  }
0x51: {  	_ =	shalt  }
0x52: {  	_ =	shalt  }
0x53: {  	_ =	shalt  }
0x54: {  	_ =	shalt  }
0x55: {  	_ =	shalt  }
0x56: {  	_ =	shalt  }
0x57: {  	_ =	shalt  }
0x58: {  	_ =	shalt  }
0x59: {  	_ =	shalt  }
0x5a: {  	_ =	shalt  }
0x5b: {  	_ =	shalt  }
0x5c: {  	_ =	shalt  }
0x5d: {  	_ =	shalt  }
0x5e: {  	_ =	shalt  }
0x5f: {  	_ =	shalt  }
0x60: {  	_ =	shalt  }
0x61: {  	_ =	shalt  }
0x62: {  	_ =	shalt  }
0x63: {  	_ =	shalt  }
0x64: {  	_ =	shalt  }
0x65: {  	_ =	shalt  }
0x66: {  	_ =	shalt  }
0x67: {  	_ =	shalt  }
0x68: {  	_ =	shalt  }
0x69: {  	_ =	shalt  }
0x6a: {  	_ =	shalt  }
0x6b: {  	_ =	shalt  }
0x6c: {  	_ =	shalt  }
0x6d: {  	_ =	shalt  }
0x6e: {  	_ =	shalt  }
0x6f: {  	_ =	shalt  }
0x70: {  	_ =	shalt  }
0x71: {  	_ =	shalt  }
0x72: {  	_ =	shalt  }
0x73: {  	_ =	shalt  }
0x74: {  	_ =	shalt  }
0x75: {  	_ =	shalt  }
0x76: {  	_ =	shalt  }
0x77: {  	_ =	shalt  }
0x78: {  	_ =	shalt  }
0x79: {  	_ =	shalt  }
0x7a: {  	_ =	shalt  }
0x7b: {  	_ =	shalt  }
0x7c: {  	_ =	shalt  }
0x7d: {  	_ =	shalt  }
0x7e: {  	_ =	shalt  }
0x7f: {  	_ =	shalt  }
0x80: {  	_ =	shalt  }
0x81: {  	_ =	shalt  }
0x82: {  	_ =	shalt  }
0x83: {  	_ =	shalt  }
0x84: {  	_ =	shalt  }
0x85: {  	_ =	shalt  }
0x86: {  	_ =	shalt  }
0x87: {  	_ =	shalt  }
.Lfunc_end0:
.L_simem_size_0:
called_computation_lowered:
.L_overlay_start_0:
0x88: {  	s2 =	sld [smem:$0x3FD9]  }
0x89: {  	s3 =	sld [smem:$0x3FFE];
	_ =	sdelay $0x1  }
0x8a: {  	s1 =	srdreg.scid  }
0x8b: {  	s0 =	sand.u32 $0x1, s1  }
0x8c: {  	s17 =	sshll.u32 s0, $0xA;
	s2 =	sadd.s32 s3, s2  }
0x8d: {  	s2 =	sadd.s32 s2, s17  }
0x8e: {  	[smem:$0x3FB7] =	sst s2  }
0x8f: {  	_ = 	snop  }
0x90: {  	s2 =	sld [smem:$0x3FD0];
	(tm) =	ssettm $0x1  }
0x91: {  	s18 =	sld [smem:$0x3FFB];
	_ =	sdelay $0x3  }
0x92: {  	_ =	strace s18  }
0x93: {  	s3 =	sld [smem:$0x3FFC];
	_ =	sdelay $0x3  }
0x94: {  	_ =	strace s3  }
0x95: {  	s3 =	sld [smem:$0x3FFD];
	_ =	sdelay $0x3  }
0x96: {  	_ =	strace s3  }
0x97: {  	_ =	strace $0x8FFFFFFF  }
0x98: {  	s19 =	sld [smem:$0x3FDB];
	_ =	sdelay $0x1  }
0x99: {  	s4 =	simm.s32 $_scs_section_size  }
0x9a: {  	s5 =	simm.s32 $_size__tile_overlayer_lowered;
	s6 =	simm.s32 $_tile_overlayer_lowered  }
0x9b: {  	s22 =	simm.s32 $0x1BFF;
	s21 =	sshll.u32 s6, $0x1;
	s3 =	sadd.s32 s4, s19  }
0x9c: {  	s7 =	simm.s32 $0x0;
	s20 =	sshll.u32 s5, $0x1;
	s5 =	sadd.s32 s21, s3  }
0x9d: {  	[timem:s7], [sflag:s22] =	dma.local [hbm:s5], s20  }
0x9e: {  	_ =	swait.ge [sflag:s22], s20  }
0x9f: {  	s4 =	ssub.s32 $0x0, s20;
	[sflag:s22] =	ssyncset.done $0x0  }
0xa0: {  	[sflag:s22] =	ssyncadd.s32 s4;
	_ =	sdelay $0x1  }
0xa1: {  	s23 =	simm.s32 $0x1B8B  }
0xa2: {  	_ =	swait.ge [sflag:s23], $0x1  }
0xa3: {  	[sflag:s23] =	ssyncset.done $0x0  }
0xa4: {  	s25 =	simm.s32 $0x1B8E;
	s24 =	sld [smem:$0x3FFE];
	[sflag:s23] =	ssyncadd.s32 $0xFFFFFFFF  }
0xa5: {  	s26 =	simm.s32 $execute0_lowered;
	[smem:$0x3FD2] =	sst s25  }
0xa6: {  	s5 =	sshll.u32 s26, $0x1;
	_ =	strace $0x80000046;
	[dreg:$0x1] =	wrdreg $0xFFFFFFFF  }
0xa7: {  	s28 =	simm.s32 $_size_execute0_lowered;
	s3 =	sadd.s32 s3, s5;
	[dreg:$0x0] =	wrdreg $0x0  }
0xa8: {  	s5 =	sshll.u32 s28, $0x1;
	[dreg:$0x2] =	wrdreg s3  }
0xa9: {  	[dreg:$0x3] =	wrdreg s5  }
0xaa: {  	[dreg:$0x4] =	wrdreg $0xC0  }
0xab: {  	_ =	task [dreg:s7], $0x5FFFF  }
0xac: {  	[dreg:$0x1] =	wrdreg $0xFFFFFFFF  }
0xad: {  	[dreg:$0x0] =	wrdreg $0x60  }
0xae: {  	[dreg:$0x2] =	wrdreg s2  }
0xaf: {  	[dreg:$0x3] =	wrdreg s24  }
0xb0: {  	[dreg:$0x4] =	wrdreg $0x9  }
0xb1: {  	_ =	task.clear_ibuf [dreg:s7], $0x5FFFF;
	_ =	strace $0x90000046  }
0xb2: {  	s29 =	simm.s32 $0x9;
	_ =	strace $0x80000048  }
0xb3: {  	_ =	swait.ge [sflag:s29], $0x1  }
0xb4: {  	[sflag:s29] =	ssyncadd.s32 $0xFFFFFFFF  }
0xb5: {  	_ =	strace $0x90000048  }
0xb6: {  	_ =	sfence  }
0xb7: {  	s30 =	sld [smem:$0x0];
	_ =	sdelay $0x2  }
0xb8: {  	s31 =	sshll.u32 s1, $0xD;
	s1 =	sshrl.u32 s1, $0x2  }
0xb9: {  	s3 =	sand.u32 $0x4000, s31;
	s1 =	sadd.s32 s1, s30  }
0xba: {  	s0 =	sor.u32 s3, s0;
	s1 =	sshll.u32 s1, $0x11  }
0xbb: {  	s0 =	sor.u32 s1, s0  }
0xbc: {  	s0 =	sadd.s32 $0x8F2B, s0  }
0xbd: {  	[sflag:s0] =	ssyncadd.remote.s32 $0x1  }
0xbe: {  	_ =	sfence.sel $0xFFFF  }
0xbf: {  	[dreg:$0x0] =	wrdreg $0xFFFFFFFF;
	(pc) =	sbr.abs _section_cstart, $3  }
0xc0: {  	[dreg:$0x1] =	wrdreg $0xFFFFFFFF  }
0xc1: {  	_ =	task.clear_ibuf [dreg:s7], $0x2FFFF;
	_ =	strace $0x9FFFFFFF  }
0xc2: {  	(tm) =	ssettm $0x7FFFFFFF  }
0xc3: {  	_ =	shalt  }
tec
execute0_lowered:
.L_overlay_start_1:
0x0: {  	(tag) =	ssettag $0x1  }
0x1: {  	s1 =	srdreg.scid;
	s0 =	stileid.u32  }
0x2: {  	s2 =	rddreg [dreg:$0x0];
	s6 =	sand.u32 $0x1, s1;
	s30 =	sshll.u32 s0, $0x1  }
0x3: {  	s8 =	rddreg [dreg:$0x1];
	s7 =	sor.u32 s6, s30  }
0x4: {  	s3 =	simm.s32 $0x0;
	s1 =	rddreg [dreg:$0x2];
	s4 =	smul.u32 $0x280, s7  }
0x5: {  	[smem:$0x7FF] =	sst s3  }
0x6: {  	_ =	strace $0x80000047;
	s10 =	ssub.s32 $0x2, s6;
	s4 =	sadd.s32 s4, s8  }
0x7: {  	s6 =	simm.s32 $0x1400;
	s5 =	sadd.s32 $0x2C00, s4;
	s4 =	simm.s32 $0x2  }
0x8: {  	[tilespmem:s3], [sflag:$0x2] =	stream.linear.gather [hbm4b:s5+s3], $0x1400, $0x38;
	[tilespmem:$0x15400] =	vst v63  }
0x9: {  	s9 =	smul.u32 $0x2800, s7;
	s11 =	sshrl.u32 s10, $0x1;
	_ =	swait.ge [sflag:s4], $0x1400  }
0xa: {  	s7 =	simm.s32 $0x1;
	s31 =	ssub.s32 s10, s11;
	[sflag:s4] =	ssyncset.done $0x0  }
0xb: {  	s8 =	sadd.s32 s9, s8;
	s9 =	smax.u32 s31, $0x1;
	[sflag:s4] =	ssyncadd.s32 $0xFFFFEC00  }
0xc: {  	[tilespmem:s6], [sflag:$0x1] =	stream.indirect.gather [hbm4b:s2+s6], $0x10, s3, s6, $0xb8;
	[tilespmem:$0x15400] =	vst v63  }
0xd: {  	p0 =	sne.s32 s9, $0x1;
	_ =	swait.ge [sflag:s7], $0x14000  }
.Ltmp0:
0xe: {  	[sflag:s7] =	ssyncset.done $0x0;
	(pc) =	sbr.rel @!p0 .LBB2_2-.Ltmp0, $4  }
0xf: {  	s8 =	sadd.s32 $0x7C00, s8;
	[sflag:s7] =	ssyncadd.s32 $0xFFFEC000  }
0x10: {  	[hbm4b:s8+s3] =	stream.linear.scatter [tilespmem:s6], [sflag:$0x2], $0x14000, $0x38;
	[tilespmem:$0x15400] =	vst v63  }
0x11: {  	_ =	swait.ge [sflag:s4], $0x14000  }
0x12: {  	s9 =	sadd.s32 $0xFFFFFFFF, s9;
	[sflag:s4] =	ssyncset.done $0x0  }
.LBB2_1:
0x13: {  	p0 =	sne.s32 s9, $0x1;
	s9 =	sadd.s32 $0xFFFFFFFF, s9;
	[sflag:s4] =	ssyncadd.s32 $0xFFFEC000  }
0x14: {  	[tilespmem:s3], [sflag:$0x2] =	stream.linear.gather [hbm4b:s5+s3], $0x1400, $0x38;
	[tilespmem:$0x15400] =	vst v63  }
0x15: {  	_ =	swait.ge [sflag:s4], $0x1400  }
0x16: {  	[sflag:s4] =	ssyncset.done $0x0  }
0x17: {  	[sflag:s4] =	ssyncadd.s32 $0xFFFFEC00  }
0x18: {  	[tilespmem:s6], [sflag:$0x1] =	stream.indirect.gather [hbm4b:s2+s6], $0x10, s3, s6, $0xb8;
	[tilespmem:$0x15400] =	vst v63  }
0x19: {  	_ =	swait.ge [sflag:s7], $0x14000  }
.Ltmp1:
0x1a: {  	[sflag:s7] =	ssyncset.done $0x0;
	(pc) =	sbr.rel @p0 .LBB2_1-.Ltmp1, $4  }
0x1b: {  	[sflag:s7] =	ssyncadd.s32 $0xFFFEC000  }
0x1c: {  	[hbm4b:s8+s3] =	stream.linear.scatter [tilespmem:s6], [sflag:$0x2], $0x14000, $0x38;
	[tilespmem:$0x15400] =	vst v63  }
0x1d: {  	_ =	swait.ge [sflag:s4], $0x14000  }
0x1e: {  	[sflag:s4] =	ssyncset.done $0x0  }
.LBB2_2:
0x1f: {  	[sflag:s4] =	ssyncadd.s32 $0xFFFEC000  }
0x20: {  	_ =	sfence.sel $0x180000  }
0x21: {  	[bflag:$0x0] =	sbarrier.arrive $0xFFFF  }
0x22: {  	p0 =	sne.s32 s0, $0x0;
	_ =	strace $0x90000047  }
0x23: {  	s0 =	sadd.s32 @!p0 $0x100000, s1;
	[bflag:$0x2] =	sbarrier.arrive $0xFFFF  }
0x24: {  	[sflag:s0] =	ssyncadd.tile.s32 @!p0 $0x1;
	_ =	shalt  }
.Lfunc_end2:
_tile_overlayer_lowered:
.L_overlay_start_2:
0x25: {  	(tag) =	ssettag $0x2  }
0x26: {  	s0 =	rddreg [dreg:$0x0];
	s2 =	stileid.u32  }
0x27: {  	s1 =	rddreg [dreg:$0x1];
	p0 =	sne.s32 s2, $0x0  }
0x28: {  	s3 =	rddreg [dreg:$0x2];
	[bflag:$0x3] =	sbarrier.arrive $0xFFFF;
	s2 =	simm.s32 @!p0 $0x1C02  }
0x29: {  	[timem:s3], [sflag:s2] =	dma.local @!p0 [hbm:s0], s1  }
0x2a: {  	s0 =	simm.s32 @!p0 $0x2  }
0x2b: {  	_ =	swait.ge @!p0 [sflag:s0], s1  }
0x2c: {  	s1 =	ssub.s32 @!p0 $0x0, s1;
	[sflag:s0] =	ssyncset.done @!p0 $0x0  }
0x2d: {  	[sflag:s0] =	ssyncadd.s32 @!p0 s1  }
0x2e: {  	[bflag:$0x3] =	sbarrier.arrive $0xFFFF  }
0x2f: {  	_ =	shalt  }

</sc_bundles>
